<compile_context>
chip_gen: v7x
topology: tpu7x:2x2x1
jax: 0.10.2.dev20260603
libtpu: 0.0.44.dev20260713+nightly
codegen_flags: <defaults>
</compile_context>

<pallas_src>
import functools

import jax
import jax.numpy as jnp
from jax import lax
from jax.experimental import pallas as pl
from jax.experimental.pallas import tpu as pltpu
from jax.experimental.pallas import tpu_sc as plsc

N = 10000
E = 320000
D = 128

NC = 2
NS = 16
LANES = 16
NW = NC * NS

E_PER_W = E // NW
CHUNK = 80
N_CHUNKS = E_PER_W // CHUNK
GROUPS = CHUNK // LANES

N_PAD = 10240
ROWS_PER_TILE = N_PAD // NS


def _bcast_lane(vec, lane):
    idx = jnp.full((LANES, 1), lane, jnp.int32)
    dnums = lax.GatherDimensionNumbers(
        offset_dims=(), collapsed_slice_dims=(0,), start_index_map=(0,))
    return lax.gather(vec, idx, dnums, (1,),
                      mode=lax.GatherScatterMode.PROMISE_IN_BOUNDS)


def _sc_body(x_hbm, src_hbm, dst_hbm, adj_hbm, z_hbm,
             out0_hbm, out1_hbm,
             idx_s, idx_d, adjb, rows, accum, sem):
    cid = lax.axis_index("c")
    sid = lax.axis_index("s")
    wid = sid * NC + cid

    pltpu.sync_copy(z_hbm, accum.at[pl.ds(sid * ROWS_PER_TILE, ROWS_PER_TILE)])
    plsc.subcore_barrier()

    ebase = wid * E_PER_W

    def chunk_body(ci, carry):
        base = ebase + ci * CHUNK
        pltpu.sync_copy(src_hbm.at[pl.ds(base, CHUNK)], idx_s)
        pltpu.sync_copy(dst_hbm.at[pl.ds(base, CHUNK)], idx_d)
        pltpu.sync_copy(adj_hbm.at[pl.ds(base, CHUNK)], adjb)
        pltpu.async_copy(x_hbm.at[idx_s], rows, sem).wait()

        def group_body(g, carry2):
            adjv = adjb[pl.ds(g * LANES, LANES)]

            def lane_body(l, carry3):
                e = g * LANES + l
                w = _bcast_lane(adjv, l)
                for j in range(D // LANES):
                    rows[e, pl.ds(j * LANES, LANES)] = (
                        rows[e, pl.ds(j * LANES, LANES)] * w)
                return carry3

            lax.fori_loop(0, LANES, lane_body, 0)
            return carry2

        lax.fori_loop(0, GROUPS, group_body, 0)

        pltpu.sync_copy(rows, accum.at[idx_d], add=True)
        return carry

    lax.fori_loop(0, N_CHUNKS, chunk_body, 0)
    plsc.subcore_barrier()

    row0 = sid * ROWS_PER_TILE

    @pl.when(cid == 0)
    def _():
        pltpu.sync_copy(accum.at[pl.ds(row0, ROWS_PER_TILE)],
                        out0_hbm.at[pl.ds(row0, ROWS_PER_TILE)])

    @pl.when(cid == 1)
    def _():
        pltpu.sync_copy(accum.at[pl.ds(row0, ROWS_PER_TILE)],
                        out1_hbm.at[pl.ds(row0, ROWS_PER_TILE)])


_sc_spmm = functools.partial(
    pl.kernel,
    out_type=(
        jax.ShapeDtypeStruct((N_PAD, D), jnp.float32),
        jax.ShapeDtypeStruct((N_PAD, D), jnp.float32),
    ),
    mesh=plsc.VectorSubcoreMesh(core_axis_name="c", subcore_axis_name="s",
                                num_cores=NC, num_subcores=NS),
    scratch_types=[
        pltpu.VMEM((CHUNK,), jnp.int32),
        pltpu.VMEM((CHUNK,), jnp.int32),
        pltpu.VMEM((CHUNK,), jnp.float32),
        pltpu.VMEM((CHUNK, D), jnp.float32),
        pltpu.VMEM_SHARED((N_PAD, D), jnp.float32),
        pltpu.SemaphoreType.DMA,
    ],
)(_sc_body)


def _tc_body(p0_ref, p1_ref, w_ref, o_ref):
    o_ref[...] = jnp.dot(p0_ref[...] + p1_ref[...], w_ref[...],
                         preferred_element_type=jnp.float32)


def _tc_matmul(p0, p1, w):
    blk = 1024
    grid = (N_PAD // blk,)
    return pl.pallas_call(
        _tc_body,
        grid=grid,
        in_specs=[
            pl.BlockSpec((blk, D), lambda i: (i, 0)),
            pl.BlockSpec((blk, D), lambda i: (i, 0)),
            pl.BlockSpec((D, D), lambda i: (0, 0)),
        ],
        out_specs=pl.BlockSpec((blk, D), lambda i: (i, 0)),
        out_shape=jax.ShapeDtypeStruct((N_PAD, D), jnp.float32),
    )(p0, p1, w)


@jax.jit
def kernel(x, edge_index, adj_values, W):
    src = edge_index[0]
    dst = edge_index[1]
    zeros = jnp.zeros((ROWS_PER_TILE, D), jnp.float32)
    p0, p1 = _sc_spmm(x, src, dst, adj_values, zeros)
    out = _tc_matmul(p0, p1, W)
    return out[:N]

# --- scband reference (transcript-rebuilt; emitter-appended) ---
"""Pipeline reference for scband-graph-convolution-51290499448997 (READ-ONLY COPY).

The authoritative reference and input builder live on the scoring server;
editing this copy changes nothing except your own understanding.
"""

import jax, jax.numpy as jnp
import numpy as np

N = 10000
E = 320000
D = 128
UNITS = 128

def setup_inputs(seed: int = 0) -> dict:
    key = jax.random.key(seed)
    k1, k2, k3, k4 = jax.random.split(key, 4)
    x = jax.random.normal(k1, (N, D), dtype=jnp.float32)
    edge_index = jax.random.randint(k2, (2, E), 0, N, dtype=jnp.int32)
    # sparse adjacency values (e.g. symmetric-normalized weights ~ 1/deg)
    adj_values = jax.random.uniform(k3, (E,), dtype=jnp.float32) / 32.0
    # kernel W (glorot-ish scale), single support
    W = jax.random.normal(k4, (D, UNITS), dtype=jnp.float32) * (1.0 / np.sqrt(D))
    return {"x": x, "edge_index": edge_index, "adj_values": adj_values, "W": W}

def reference(x, edge_index, adj_values, W):
    # GraphConvolution.call with one support, dense input, no bias/gate,
    # linear activation:
    #   pre_sup = X @ W ; out = A @ pre_sup  (A sparse, via gather + segment_sum)
    pre_sup = x @ W
    src = edge_index[0]
    dst = edge_index[1]
    messages = adj_values[:, None] * jnp.take(pre_sup, src, axis=0)
    out = jax.ops.segment_sum(messages, dst, num_segments=N)
    # tf.math.add_n over single support, activation = linear (identity)
    return out

if __name__ == "__main__":
    import jax
    _d = setup_inputs()
    print(jax.jit(kernel)(*tuple(_d.values())))

</pallas_src>

<mosaic_0001>
#map = affine_map<(d0, d1) -> (0, 0)>
#map1 = affine_map<(d0, d1) -> (0)>
module attributes {stable_mosaic.version = 14 : i64} {
  func.func @_sc_body(%arg0: i32, %arg1: i32, %arg2: memref<10000x128xf32, #tpu.memory_space<hbm>>, %arg3: memref<320000xi32, #tpu.memory_space<hbm>>, %arg4: memref<320000xi32, #tpu.memory_space<hbm>>, %arg5: memref<320000xf32, #tpu.memory_space<hbm>>, %arg6: memref<640x128xf32, #tpu.memory_space<hbm>>, %arg7: memref<10240x128xf32, #tpu.memory_space<hbm>>, %arg8: memref<10240x128xf32, #tpu.memory_space<hbm>>, %arg9: memref<80xi32, #tpu.memory_space<vmem>>, %arg10: memref<80xi32, #tpu.memory_space<vmem>>, %arg11: memref<80xf32, #tpu.memory_space<vmem>>, %arg12: memref<80x128xf32, #tpu.memory_space<vmem>>, %arg13: memref<10240x128xf32, #tpu.memory_space<vmem_shared>>, %arg14: memref<!tpu.dma_semaphore, #tpu.memory_space<semaphore_mem>>) attributes {dimension_semantics = [#tpu.dimension_semantics<core_parallel>, #tpu.dimension_semantics<subcore_parallel>], iteration_bounds = array<i64: 2, 16>, scalar_prefetch = 0 : i64, scratch_operands = 6 : i64, tpu.core_type = #tpu.core_type<sc_vector_subcore>, window_params = [{transform_indices = #map}, {transform_indices = #map1}, {transform_indices = #map1}, {transform_indices = #map1}, {transform_indices = #map}, {transform_indices = #map}, {transform_indices = #map}]} {
    %mul3A = arith.constant 2 : i32
    %mul3A_0 = arith.muli %arg1, %mul3A : i32
    %add3A = arith.addi %mul3A_0, %arg0 : i32
    %mul3A_1 = arith.constant 640 : i32
    %mul3A_2 = arith.muli %arg1, %mul3A_1 : i32
    "tpu.region"() ({
      %run_scoped3A = tpu.sem_alloc : memref<!tpu.dma_semaphore, #tpu.memory_space<semaphore_mem>>
      %dma_start3A = arith.constant 0 : i32
      %dma_start3A_20 = tpu.memref_slice %arg13[%mul3A_2, %dma_start3A] : memref<10240x128xf32, #tpu.memory_space<vmem_shared>> -> memref<640x128xf32, #tpu.memory_space<vmem_shared>>
      tpu.enqueue_dma source(%arg6 : memref<640x128xf32, #tpu.memory_space<hbm>>) target(%dma_start3A_20 : memref<640x128xf32, #tpu.memory_space<vmem_shared>>) target_semaphore(%run_scoped3A : memref<!tpu.dma_semaphore, #tpu.memory_space<semaphore_mem>>)
      %dma_wait3A = arith.constant 0 : i32
      %dma_wait3A_21 = tpu.memref_slice %arg13[%mul3A_2, %dma_wait3A] : memref<10240x128xf32, #tpu.memory_space<vmem_shared>> -> memref<640x128xf32, #tpu.memory_space<vmem_shared>>
      tpu.wait_dma2 semaphore(%run_scoped3A : memref<!tpu.dma_semaphore, #tpu.memory_space<semaphore_mem>>) src(%arg6 : memref<640x128xf32, #tpu.memory_space<hbm>>) dst(%dma_wait3A_21 : memref<640x128xf32, #tpu.memory_space<vmem_shared>>)
      tpu.yield
    }) : () -> ()
    %barrier3A = arith.constant 0 : index
    tpu.barrier barrier_id(%barrier3A)
    %mul3A_3 = arith.constant 10000 : i32
    %mul3A_4 = arith.muli %add3A, %mul3A_3 : i32
    %scan3A = arith.constant 0 : i32
    %scan3A_5 = arith.constant 0 : i32
    %scan3A_6 = arith.constant 125 : i32
    %scan3A_7 = arith.addi %scan3A_5, %scan3A_6 : i32
    %scan3A_8 = arith.constant 1 : i32
    scf.for %scan3A_20 = %scan3A_5 to %scan3A_7 step %scan3A_8  : i32 {
      %mul3A_21 = arith.constant 80 : i32
      %mul3A_22 = arith.muli %scan3A_20, %mul3A_21 : i32
      %add3A_23 = arith.addi %mul3A_4, %mul3A_22 : i32
      "tpu.region"() ({
        %run_scoped3A = tpu.sem_alloc : memref<!tpu.dma_semaphore, #tpu.memory_space<semaphore_mem>>
        %dma_start3A_34 = tpu.memref_slice %arg3[%add3A_23] : memref<320000xi32, #tpu.memory_space<hbm>> -> memref<80xi32, #tpu.memory_space<hbm>>
        %dma_start3A_35 = tpu.memref_slice %arg3[%add3A_23] : memref<320000xi32, #tpu.memory_space<hbm>> -> memref<80xi32, #tpu.memory_space<hbm>>
        tpu.enqueue_dma source(%dma_start3A_35 : memref<80xi32, #tpu.memory_space<hbm>>) target(%arg9 : memref<80xi32, #tpu.memory_space<vmem>>) target_semaphore(%run_scoped3A : memref<!tpu.dma_semaphore, #tpu.memory_space<semaphore_mem>>)
        %dma_wait3A_36 = tpu.memref_slice %arg3[%add3A_23] : memref<320000xi32, #tpu.memory_space<hbm>> -> memref<80xi32, #tpu.memory_space<hbm>>
        %dma_wait3A_37 = tpu.memref_slice %arg3[%add3A_23] : memref<320000xi32, #tpu.memory_space<hbm>> -> memref<80xi32, #tpu.memory_space<hbm>>
        tpu.wait_dma2 semaphore(%run_scoped3A : memref<!tpu.dma_semaphore, #tpu.memory_space<semaphore_mem>>) src(%dma_wait3A_37 : memref<80xi32, #tpu.memory_space<hbm>>) dst(%arg9 : memref<80xi32, #tpu.memory_space<vmem>>)
        tpu.yield
      }) : () -> ()
      "tpu.region"() ({
        %run_scoped3A = tpu.sem_alloc : memref<!tpu.dma_semaphore, #tpu.memory_space<semaphore_mem>>
        %dma_start3A_34 = tpu.memref_slice %arg4[%add3A_23] : memref<320000xi32, #tpu.memory_space<hbm>> -> memref<80xi32, #tpu.memory_space<hbm>>
        %dma_start3A_35 = tpu.memref_slice %arg4[%add3A_23] : memref<320000xi32, #tpu.memory_space<hbm>> -> memref<80xi32, #tpu.memory_space<hbm>>
        tpu.enqueue_dma source(%dma_start3A_35 : memref<80xi32, #tpu.memory_space<hbm>>) target(%arg10 : memref<80xi32, #tpu.memory_space<vmem>>) target_semaphore(%run_scoped3A : memref<!tpu.dma_semaphore, #tpu.memory_space<semaphore_mem>>)
        %dma_wait3A_36 = tpu.memref_slice %arg4[%add3A_23] : memref<320000xi32, #tpu.memory_space<hbm>> -> memref<80xi32, #tpu.memory_space<hbm>>
        %dma_wait3A_37 = tpu.memref_slice %arg4[%add3A_23] : memref<320000xi32, #tpu.memory_space<hbm>> -> memref<80xi32, #tpu.memory_space<hbm>>
        tpu.wait_dma2 semaphore(%run_scoped3A : memref<!tpu.dma_semaphore, #tpu.memory_space<semaphore_mem>>) src(%dma_wait3A_37 : memref<80xi32, #tpu.memory_space<hbm>>) dst(%arg10 : memref<80xi32, #tpu.memory_space<vmem>>)
        tpu.yield
      }) : () -> ()
      "tpu.region"() ({
        %run_scoped3A = tpu.sem_alloc : memref<!tpu.dma_semaphore, #tpu.memory_space<semaphore_mem>>
        %dma_start3A_34 = tpu.memref_slice %arg5[%add3A_23] : memref<320000xf32, #tpu.memory_space<hbm>> -> memref<80xf32, #tpu.memory_space<hbm>>
        %dma_start3A_35 = tpu.memref_slice %arg5[%add3A_23] : memref<320000xf32, #tpu.memory_space<hbm>> -> memref<80xf32, #tpu.memory_space<hbm>>
        tpu.enqueue_dma source(%dma_start3A_35 : memref<80xf32, #tpu.memory_space<hbm>>) target(%arg11 : memref<80xf32, #tpu.memory_space<vmem>>) target_semaphore(%run_scoped3A : memref<!tpu.dma_semaphore, #tpu.memory_space<semaphore_mem>>)
        %dma_wait3A_36 = tpu.memref_slice %arg5[%add3A_23] : memref<320000xf32, #tpu.memory_space<hbm>> -> memref<80xf32, #tpu.memory_space<hbm>>
        %dma_wait3A_37 = tpu.memref_slice %arg5[%add3A_23] : memref<320000xf32, #tpu.memory_space<hbm>> -> memref<80xf32, #tpu.memory_space<hbm>>
        tpu.wait_dma2 semaphore(%run_scoped3A : memref<!tpu.dma_semaphore, #tpu.memory_space<semaphore_mem>>) src(%dma_wait3A_37 : memref<80xf32, #tpu.memory_space<hbm>>) dst(%arg11 : memref<80xf32, #tpu.memory_space<vmem>>)
        tpu.yield
      }) : () -> ()
      %dma_start3A = arith.constant 0 : i32
      %dma_start3A_24 = arith.constant 0 : i32
      %dma_start3A_25 = tpu.memref_slice %arg2[%dma_start3A, %dma_start3A_24] : memref<10000x128xf32, #tpu.memory_space<hbm>> -> memref<10000x128xf32, #tpu.memory_space<hbm>>
      tpu.enqueue_indirect_dma source(%dma_start3A_25 : memref<10000x128xf32, #tpu.memory_space<hbm>>) target(%arg12 : memref<80x128xf32, #tpu.memory_space<vmem>>) offsets(%arg9 : memref<80xi32, #tpu.memory_space<vmem>>) semaphore(%arg14 : memref<!tpu.dma_semaphore, #tpu.memory_space<semaphore_mem>>)
      %dma_wait3A = arith.constant 0 : i32
      %dma_wait3A_26 = arith.constant 0 : i32
      %dma_wait3A_27 = tpu.memref_slice %arg2[%dma_wait3A, %dma_wait3A_26] : memref<10000x128xf32, #tpu.memory_space<hbm>> -> memref<10000x128xf32, #tpu.memory_space<hbm>>
      tpu.wait_indirect_dma semaphore(%arg14 : memref<!tpu.dma_semaphore, #tpu.memory_space<semaphore_mem>>) src(%dma_wait3A_27 : memref<10000x128xf32, #tpu.memory_space<hbm>>) dst(%arg12 : memref<80x128xf32, #tpu.memory_space<vmem>>)
      %scan3A_28 = arith.constant 0 : i32
      %scan3A_29 = arith.constant 0 : i32
      %scan3A_30 = arith.constant 5 : i32
      %scan3A_31 = arith.addi %scan3A_29, %scan3A_30 : i32
      %scan3A_32 = arith.constant 1 : i32
      scf.for %scan3A_34 = %scan3A_29 to %scan3A_31 step %scan3A_32  : i32 {
        %mul3A_35 = arith.constant 16 : i32
        %mul3A_36 = arith.muli %scan3A_34, %mul3A_35 : i32
        %get3A = arith.index_cast %mul3A_36 : i32 to index
        %get3A_37 = tpu.vector_load %arg11[%get3A] {strides = array<i32>} : memref<80xf32, #tpu.memory_space<vmem>>, vector<16xf32>,
        %get3A_38 = vector.shape_cast %get3A_37 : vector<16xf32> to vector<16xf32>
        %scan3A_39 = arith.constant 0 : i32
        %scan3A_40 = arith.constant 0 : i32
        %scan3A_41 = arith.constant 16 : i32
        %scan3A_42 = arith.addi %scan3A_40, %scan3A_41 : i32
        %scan3A_43 = arith.constant 1 : i32
        scf.for %scan3A_45 = %scan3A_40 to %scan3A_42 step %scan3A_43  : i32 {
          %mul3A_46 = arith.constant 16 : i32
          %mul3A_47 = arith.muli %scan3A_34, %mul3A_46 : i32
          %add3A_48 = arith.addi %mul3A_47, %scan3A_45 : i32
          %broadcast_in_dim3A = vector.broadcast %scan3A_45 : i32 to vector<16x1xi32>
          %gather3A = vector.shape_cast %broadcast_in_dim3A : vector<16x1xi32> to vector<16xi32>
          %gather3A_49 = tpu.dynamic_gather %get3A_38[%gather3A] in [0] : vector<16xf32>, vector<16xi32> -> vector<16xf32>
          %get3A_50 = arith.index_cast %add3A_48 : i32 to index
          %get3A_51 = arith.constant 0 : index
          %get3A_52 = tpu.vector_load %arg12[%get3A_50, %get3A_51] {strides = array<i32>} : memref<80x128xf32, #tpu.memory_space<vmem>>, vector<1x16xf32>,
          %get3A_53 = vector.shape_cast %get3A_52 : vector<1x16xf32> to vector<16xf32>
          %mul3A_54 = arith.mulf %get3A_53, %gather3A_49 : vector<16xf32>
          %swap3A = arith.index_cast %add3A_48 : i32 to index
          %swap3A_55 = arith.constant 0 : index
          %swap3A_56 = tpu.vector_load %arg12[%swap3A, %swap3A_55] {strides = array<i32>} : memref<80x128xf32, #tpu.memory_space<vmem>>, vector<1x16xf32>,
          %swap3A_57 = vector.shape_cast %swap3A_56 : vector<1x16xf32> to vector<16xf32>
          %swap3A_58 = vector.shape_cast %mul3A_54 : vector<16xf32> to vector<1x16xf32>
          tpu.vector_store %arg12[%swap3A, %swap3A_55], %swap3A_58 {strides = array<i32>} : memref<80x128xf32, #tpu.memory_space<vmem>>, vector<1x16xf32>,
          %get3A_59 = arith.index_cast %add3A_48 : i32 to index
          %get3A_60 = arith.constant 16 : index
          %get3A_61 = tpu.vector_load %arg12[%get3A_59, %get3A_60] {strides = array<i32>} : memref<80x128xf32, #tpu.memory_space<vmem>>, vector<1x16xf32>,
          %get3A_62 = vector.shape_cast %get3A_61 : vector<1x16xf32> to vector<16xf32>
          %mul3A_63 = arith.mulf %get3A_62, %gather3A_49 : vector<16xf32>
          %swap3A_64 = arith.index_cast %add3A_48 : i32 to index
          %swap3A_65 = arith.constant 16 : index
          %swap3A_66 = tpu.vector_load %arg12[%swap3A_64, %swap3A_65] {strides = array<i32>} : memref<80x128xf32, #tpu.memory_space<vmem>>, vector<1x16xf32>,
          %swap3A_67 = vector.shape_cast %swap3A_66 : vector<1x16xf32> to vector<16xf32>
          %swap3A_68 = vector.shape_cast %mul3A_63 : vector<16xf32> to vector<1x16xf32>
          tpu.vector_store %arg12[%swap3A_64, %swap3A_65], %swap3A_68 {strides = array<i32>} : memref<80x128xf32, #tpu.memory_space<vmem>>, vector<1x16xf32>,
          %get3A_69 = arith.index_cast %add3A_48 : i32 to index
          %get3A_70 = arith.constant 32 : index
          %get3A_71 = tpu.vector_load %arg12[%get3A_69, %get3A_70] {strides = array<i32>} : memref<80x128xf32, #tpu.memory_space<vmem>>, vector<1x16xf32>,
          %get3A_72 = vector.shape_cast %get3A_71 : vector<1x16xf32> to vector<16xf32>
          %mul3A_73 = arith.mulf %get3A_72, %gather3A_49 : vector<16xf32>
          %swap3A_74 = arith.index_cast %add3A_48 : i32 to index
          %swap3A_75 = arith.constant 32 : index
          %swap3A_76 = tpu.vector_load %arg12[%swap3A_74, %swap3A_75] {strides = array<i32>} : memref<80x128xf32, #tpu.memory_space<vmem>>, vector<1x16xf32>,
          %swap3A_77 = vector.shape_cast %swap3A_76 : vector<1x16xf32> to vector<16xf32>
          %swap3A_78 = vector.shape_cast %mul3A_73 : vector<16xf32> to vector<1x16xf32>
          tpu.vector_store %arg12[%swap3A_74, %swap3A_75], %swap3A_78 {strides = array<i32>} : memref<80x128xf32, #tpu.memory_space<vmem>>, vector<1x16xf32>,
          %get3A_79 = arith.index_cast %add3A_48 : i32 to index
          %get3A_80 = arith.constant 48 : index
          %get3A_81 = tpu.vector_load %arg12[%get3A_79, %get3A_80] {strides = array<i32>} : memref<80x128xf32, #tpu.memory_space<vmem>>, vector<1x16xf32>,
          %get3A_82 = vector.shape_cast %get3A_81 : vector<1x16xf32> to vector<16xf32>
          %mul3A_83 = arith.mulf %get3A_82, %gather3A_49 : vector<16xf32>
          %swap3A_84 = arith.index_cast %add3A_48 : i32 to index
          %swap3A_85 = arith.constant 48 : index
          %swap3A_86 = tpu.vector_load %arg12[%swap3A_84, %swap3A_85] {strides = array<i32>} : memref<80x128xf32, #tpu.memory_space<vmem>>, vector<1x16xf32>,
          %swap3A_87 = vector.shape_cast %swap3A_86 : vector<1x16xf32> to vector<16xf32>
          %swap3A_88 = vector.shape_cast %mul3A_83 : vector<16xf32> to vector<1x16xf32>
          tpu.vector_store %arg12[%swap3A_84, %swap3A_85], %swap3A_88 {strides = array<i32>} : memref<80x128xf32, #tpu.memory_space<vmem>>, vector<1x16xf32>,
          %get3A_89 = arith.index_cast %add3A_48 : i32 to index
          %get3A_90 = arith.constant 64 : index
          %get3A_91 = tpu.vector_load %arg12[%get3A_89, %get3A_90] {strides = array<i32>} : memref<80x128xf32, #tpu.memory_space<vmem>>, vector<1x16xf32>,
          %get3A_92 = vector.shape_cast %get3A_91 : vector<1x16xf32> to vector<16xf32>
          %mul3A_93 = arith.mulf %get3A_92, %gather3A_49 : vector<16xf32>
          %swap3A_94 = arith.index_cast %add3A_48 : i32 to index
          %swap3A_95 = arith.constant 64 : index
          %swap3A_96 = tpu.vector_load %arg12[%swap3A_94, %swap3A_95] {strides = array<i32>} : memref<80x128xf32, #tpu.memory_space<vmem>>, vector<1x16xf32>,
          %swap3A_97 = vector.shape_cast %swap3A_96 : vector<1x16xf32> to vector<16xf32>
          %swap3A_98 = vector.shape_cast %mul3A_93 : vector<16xf32> to vector<1x16xf32>
          tpu.vector_store %arg12[%swap3A_94, %swap3A_95], %swap3A_98 {strides = array<i32>} : memref<80x128xf32, #tpu.memory_space<vmem>>, vector<1x16xf32>,
          %get3A_99 = arith.index_cast %add3A_48 : i32 to index
          %get3A_100 = arith.constant 80 : index
          %get3A_101 = tpu.vector_load %arg12[%get3A_99, %get3A_100] {strides = array<i32>} : memref<80x128xf32, #tpu.memory_space<vmem>>, vector<1x16xf32>,
          %get3A_102 = vector.shape_cast %get3A_101 : vector<1x16xf32> to vector<16xf32>
          %mul3A_103 = arith.mulf %get3A_102, %gather3A_49 : vector<16xf32>
          %swap3A_104 = arith.index_cast %add3A_48 : i32 to index
          %swap3A_105 = arith.constant 80 : index
          %swap3A_106 = tpu.vector_load %arg12[%swap3A_104, %swap3A_105] {strides = array<i32>} : memref<80x128xf32, #tpu.memory_space<vmem>>, vector<1x16xf32>,
          %swap3A_107 = vector.shape_cast %swap3A_106 : vector<1x16xf32> to vector<16xf32>
          %swap3A_108 = vector.shape_cast %mul3A_103 : vector<16xf32> to vector<1x16xf32>
          tpu.vector_store %arg12[%swap3A_104, %swap3A_105], %swap3A_108 {strides = array<i32>} : memref<80x128xf32, #tpu.memory_space<vmem>>, vector<1x16xf32>,
          %get3A_109 = arith.index_cast %add3A_48 : i32 to index
          %get3A_110 = arith.constant 96 : index
          %get3A_111 = tpu.vector_load %arg12[%get3A_109, %get3A_110] {strides = array<i32>} : memref<80x128xf32, #tpu.memory_space<vmem>>, vector<1x16xf32>,
          %get3A_112 = vector.shape_cast %get3A_111 : vector<1x16xf32> to vector<16xf32>
          %mul3A_113 = arith.mulf %get3A_112, %gather3A_49 : vector<16xf32>
          %swap3A_114 = arith.index_cast %add3A_48 : i32 to index
          %swap3A_115 = arith.constant 96 : index
          %swap3A_116 = tpu.vector_load %arg12[%swap3A_114, %swap3A_115] {strides = array<i32>} : memref<80x128xf32, #tpu.memory_space<vmem>>, vector<1x16xf32>,
          %swap3A_117 = vector.shape_cast %swap3A_116 : vector<1x16xf32> to vector<16xf32>
          %swap3A_118 = vector.shape_cast %mul3A_113 : vector<16xf32> to vector<1x16xf32>
          tpu.vector_store %arg12[%swap3A_114, %swap3A_115], %swap3A_118 {strides = array<i32>} : memref<80x128xf32, #tpu.memory_space<vmem>>, vector<1x16xf32>,
          %get3A_119 = arith.index_cast %add3A_48 : i32 to index
          %get3A_120 = arith.constant 112 : index
          %get3A_121 = tpu.vector_load %arg12[%get3A_119, %get3A_120] {strides = array<i32>} : memref<80x128xf32, #tpu.memory_space<vmem>>, vector<1x16xf32>,
          %get3A_122 = vector.shape_cast %get3A_121 : vector<1x16xf32> to vector<16xf32>
          %mul3A_123 = arith.mulf %get3A_122, %gather3A_49 : vector<16xf32>
          %swap3A_124 = arith.index_cast %add3A_48 : i32 to index
          %swap3A_125 = arith.constant 112 : index
          %swap3A_126 = tpu.vector_load %arg12[%swap3A_124, %swap3A_125] {strides = array<i32>} : memref<80x128xf32, #tpu.memory_space<vmem>>, vector<1x16xf32>,
          %swap3A_127 = vector.shape_cast %swap3A_126 : vector<1x16xf32> to vector<16xf32>
          %swap3A_128 = vector.shape_cast %mul3A_123 : vector<16xf32> to vector<1x16xf32>
          tpu.vector_store %arg12[%swap3A_124, %swap3A_125], %swap3A_128 {strides = array<i32>} : memref<80x128xf32, #tpu.memory_space<vmem>>, vector<1x16xf32>,
        }
        %scan3A_44 = arith.constant 16 : i32
      }
      %scan3A_33 = arith.constant 5 : i32
      "tpu.region"() ({
        %run_scoped3A = tpu.sem_alloc : memref<!tpu.dma_semaphore, #tpu.memory_space<semaphore_mem>>
        %dma_start3A_34 = arith.constant 0 : i32
        %dma_start3A_35 = arith.constant 0 : i32
        %dma_start3A_36 = tpu.memref_slice %arg13[%dma_start3A_34, %dma_start3A_35] : memref<10240x128xf32, #tpu.memory_space<vmem_shared>> -> memref<10240x128xf32, #tpu.memory_space<vmem_shared>>
        tpu.enqueue_indirect_dma source(%arg12 : memref<80x128xf32, #tpu.memory_space<vmem>>) target(%dma_start3A_36 : memref<10240x128xf32, #tpu.memory_space<vmem_shared>>) offsets(%arg10 : memref<80xi32, #tpu.memory_space<vmem>>) semaphore(%run_scoped3A : memref<!tpu.dma_semaphore, #tpu.memory_space<semaphore_mem>>) {add = true}
        %dma_wait3A_37 = arith.constant 0 : i32
        %dma_wait3A_38 = arith.constant 0 : i32
        %dma_wait3A_39 = tpu.memref_slice %arg13[%dma_wait3A_37, %dma_wait3A_38] : memref<10240x128xf32, #tpu.memory_space<vmem_shared>> -> memref<10240x128xf32, #tpu.memory_space<vmem_shared>>
        tpu.wait_indirect_dma semaphore(%run_scoped3A : memref<!tpu.dma_semaphore, #tpu.memory_space<semaphore_mem>>) src(%arg12 : memref<80x128xf32, #tpu.memory_space<vmem>>) dst(%dma_wait3A_39 : memref<10240x128xf32, #tpu.memory_space<vmem_shared>>)
        tpu.yield
      }) : () -> ()
    }
    %scan3A_9 = arith.constant 125 : i32
    %barrier3A_10 = arith.constant 0 : index
    tpu.barrier barrier_id(%barrier3A_10)
    %mul3A_11 = arith.constant 640 : i32
    %mul3A_12 = arith.muli %arg1, %mul3A_11 : i32
    %eq3A = arith.constant 0 : i32
    %eq3A_13 = arith.cmpi eq, %arg0, %eq3A : i32
    %convert_element_type3A = arith.extui %eq3A_13 : i1 to i32
    %cond3A = arith.constant 0 : i32
    %cond3A_14 = arith.cmpi ne, %convert_element_type3A, %cond3A : i32
    scf.if %cond3A_14 {
      "tpu.region"() ({
        %run_scoped3A = tpu.sem_alloc : memref<!tpu.dma_semaphore, #tpu.memory_space<semaphore_mem>>
        %dma_start3A = arith.constant 0 : i32
        %dma_start3A_20 = tpu.memref_slice %arg7[%mul3A_12, %dma_start3A] : memref<10240x128xf32, #tpu.memory_space<hbm>> -> memref<640x128xf32, #tpu.memory_space<hbm>>
        %dma_start3A_21 = arith.constant 0 : i32
        %dma_start3A_22 = tpu.memref_slice %arg13[%mul3A_12, %dma_start3A_21] : memref<10240x128xf32, #tpu.memory_space<vmem_shared>> -> memref<640x128xf32, #tpu.memory_space<vmem_shared>>
        tpu.enqueue_dma source(%dma_start3A_22 : memref<640x128xf32, #tpu.memory_space<vmem_shared>>) target(%dma_start3A_20 : memref<640x128xf32, #tpu.memory_space<hbm>>) target_semaphore(%run_scoped3A : memref<!tpu.dma_semaphore, #tpu.memory_space<semaphore_mem>>)
        %dma_wait3A = arith.constant 0 : i32
        %dma_wait3A_23 = tpu.memref_slice %arg7[%mul3A_12, %dma_wait3A] : memref<10240x128xf32, #tpu.memory_space<hbm>> -> memref<640x128xf32, #tpu.memory_space<hbm>>
        %dma_wait3A_24 = arith.constant 0 : i32
        %dma_wait3A_25 = tpu.memref_slice %arg13[%mul3A_12, %dma_wait3A_24] : memref<10240x128xf32, #tpu.memory_space<vmem_shared>> -> memref<640x128xf32, #tpu.memory_space<vmem_shared>>
        tpu.wait_dma2 semaphore(%run_scoped3A : memref<!tpu.dma_semaphore, #tpu.memory_space<semaphore_mem>>) src(%dma_wait3A_25 : memref<640x128xf32, #tpu.memory_space<vmem_shared>>) dst(%dma_wait3A_23 : memref<640x128xf32, #tpu.memory_space<hbm>>)
        tpu.yield
      }) : () -> ()
    } else {
    }
    %eq3A_15 = arith.constant 1 : i32
    %eq3A_16 = arith.cmpi eq, %arg0, %eq3A_15 : i32
    %convert_element_type3A_17 = arith.extui %eq3A_16 : i1 to i32
    %cond3A_18 = arith.constant 0 : i32
    %cond3A_19 = arith.cmpi ne, %convert_element_type3A_17, %cond3A_18 : i32
    scf.if %cond3A_19 {
      "tpu.region"() ({
        %run_scoped3A = tpu.sem_alloc : memref<!tpu.dma_semaphore, #tpu.memory_space<semaphore_mem>>
        %dma_start3A = arith.constant 0 : i32
        %dma_start3A_20 = tpu.memref_slice %arg8[%mul3A_12, %dma_start3A] : memref<10240x128xf32, #tpu.memory_space<hbm>> -> memref<640x128xf32, #tpu.memory_space<hbm>>
        %dma_start3A_21 = arith.constant 0 : i32
        %dma_start3A_22 = tpu.memref_slice %arg13[%mul3A_12, %dma_start3A_21] : memref<10240x128xf32, #tpu.memory_space<vmem_shared>> -> memref<640x128xf32, #tpu.memory_space<vmem_shared>>
        tpu.enqueue_dma source(%dma_start3A_22 : memref<640x128xf32, #tpu.memory_space<vmem_shared>>) target(%dma_start3A_20 : memref<640x128xf32, #tpu.memory_space<hbm>>) target_semaphore(%run_scoped3A : memref<!tpu.dma_semaphore, #tpu.memory_space<semaphore_mem>>)
        %dma_wait3A = arith.constant 0 : i32
        %dma_wait3A_23 = tpu.memref_slice %arg8[%mul3A_12, %dma_wait3A] : memref<10240x128xf32, #tpu.memory_space<hbm>> -> memref<640x128xf32, #tpu.memory_space<hbm>>
        %dma_wait3A_24 = arith.constant 0 : i32
        %dma_wait3A_25 = tpu.memref_slice %arg13[%mul3A_12, %dma_wait3A_24] : memref<10240x128xf32, #tpu.memory_space<vmem_shared>> -> memref<640x128xf32, #tpu.memory_space<vmem_shared>>
        tpu.wait_dma2 semaphore(%run_scoped3A : memref<!tpu.dma_semaphore, #tpu.memory_space<semaphore_mem>>) src(%dma_wait3A_25 : memref<640x128xf32, #tpu.memory_space<vmem_shared>>) dst(%dma_wait3A_23 : memref<640x128xf32, #tpu.memory_space<hbm>>)
        tpu.yield
      }) : () -> ()
    } else {
    }
    return
  }
}

module attributes {stable_mosaic.version = 14 : i64} {
  func.func @_tc_body(%arg0: i32, %arg1: memref<1024x128xf32, #tpu.memory_space<vmem>>, %arg2: memref<1024x128xf32, #tpu.memory_space<vmem>>, %arg3: memref<128x128xf32, #tpu.memory_space<vmem>>, %arg4: memref<1024x128xf32, #tpu.memory_space<vmem>>) attributes {dimension_semantics = [#tpu.dimension_semantics<arbitrary>], iteration_bounds = array<i64: 10>, scalar_prefetch = 0 : i64, scratch_operands = 0 : i64, tpu.core_type = #tpu.core_type<tc>, window_params = [{transform_indices = @transform_0, window_bounds = array<i64: 1024, 128>}, {transform_indices = @transform_1, window_bounds = array<i64: 1024, 128>}, {pipeline_mode = #tpu.pipeline_mode<synchronous>, transform_indices = @transform_2, window_bounds = array<i64: 128, 128>}, {transform_indices = @transform_3, window_bounds = array<i64: 1024, 128>}]} {
    %get3A = arith.constant 0 : index
    %get3A_0 = arith.constant 0 : index
    %get3A_1 = vector.load %arg1[%get3A, %get3A_0] : memref<1024x128xf32, #tpu.memory_space<vmem>>, vector<1024x128xf32>
    %get3A_2 = arith.constant 0 : index
    %get3A_3 = arith.constant 0 : index
    %get3A_4 = vector.load %arg2[%get3A_2, %get3A_3] : memref<1024x128xf32, #tpu.memory_space<vmem>>, vector<1024x128xf32>
    %add3A = arith.addf %get3A_1, %get3A_4 : vector<1024x128xf32>
    %get3A_5 = arith.constant 0 : index
    %get3A_6 = arith.constant 0 : index
    %get3A_7 = vector.load %arg3[%get3A_5, %get3A_6] : memref<128x128xf32, #tpu.memory_space<vmem>>, vector<128x128xf32>
    %dot_general3A = arith.constant dense<0.000000e+00> : vector<1024x128xf32>
    %dot_general3A_8 = tpu.matmul %add3A, %get3A_7, %dot_general3A {dimension_numbers = #tpu.dot_dimension_numbers<[1], [0], [0], [1], [0, 0, 1, 1], [], []>, transpose_lhs_hint = false} : vector<1024x128xf32>, vector<128x128xf32>, vector<1024x128xf32> -> vector<1024x128xf32>
    %swap3A = arith.constant 0 : index
    %swap3A_9 = arith.constant 0 : index
    %swap3A_10 = vector.load %arg4[%swap3A, %swap3A_9] : memref<1024x128xf32, #tpu.memory_space<vmem>>, vector<1024x128xf32>
    tpu.vector_store %arg4[%swap3A, %swap3A_9], %dot_general3A_8 {strides = array<i32>} : memref<1024x128xf32, #tpu.memory_space<vmem>>, vector<1024x128xf32>,
    return
  }
  func.func @transform_0(%arg0: i32) -> (i32, i32) {
    %c0_i32 = arith.constant 0 : i32
    %c0_i32_0 = arith.constant 0 : i32
    return %arg0, %c0_i32 : i32, i32
  }
  func.func @transform_1(%arg0: i32) -> (i32, i32) {
    %c0_i32 = arith.constant 0 : i32
    %c0_i32_0 = arith.constant 0 : i32
    return %arg0, %c0_i32 : i32, i32
  }
  func.func @transform_2(%arg0: i32) -> (i32, i32) {
    %c0_i32 = arith.constant 0 : i32
    %c0_i32_0 = arith.constant 0 : i32
    %c0_i32_1 = arith.constant 0 : i32
    return %c0_i32, %c0_i32_0 : i32, i32
  }
  func.func @transform_3(%arg0: i32) -> (i32, i32) {
    %c0_i32 = arith.constant 0 : i32
    %c0_i32_0 = arith.constant 0 : i32
    return %arg0, %c0_i32 : i32, i32
  }
}

</mosaic_0001>

<sc_bundles>
// kernel: kernel.4.cloned.1.call-start
scs
__scs_entry_jumppad:
0x0: {  	(pc) =	sbr.rel $0x88, $3  }
0x1: {  	(tag) =	ssettag $0x0;
	lr =	simm.s32 $0x1  }
0x2: {  	[smem:$0x3F9D] =	sst lr;
	_ =	strace $0xD0000000  }
0x3: {  	_ = 	snop  }
0x4: {  	_ = 	snop  }
0x5: {  	_ = 	snop  }
0x6: {  	_ = 	snop  }
0x7: {  	_ = 	snop  }
__scs_overlays_trampoline_lowered:
0x8: {  	[smem:$0x3FAC] =	sst s0  }
0x9: {  	[smem:$0x3FAD] =	sst s1  }
0xa: {  	[smem:$0x3FAE] =	sst s2  }
0xb: {  	[smem:$0x3FAF] =	sst s3  }
0xc: {  	[smem:$0x3FB0] =	sst s4  }
0xd: {  	[smem:$0x3FB1] =	sst s5  }
0xe: {  	[smem:$0x3FB2] =	sst s6  }
0xf: {  	[smem:$0x3FB3] =	sst s7  }
0x10: {  	[smem:$0x3FB4] =	sst s8  }
0x11: {  	[smem:$0x3FB5] =	sst s9;
	s0 =	simm.s32 @!p0 $0x0  }
0x12: {  	s1 =	sld [smem:$0x3F9B];
	s0 =	simm.s32 @p0 $0x1  }
0x13: {  	[smem:$0x3FB6] =	sst s0;
	s0 =	simm.s32 @!p1 $0x0  }
0x14: {  	s2 =	sld [smem:$0x3F9A];
	s0 =	simm.s32 @p1 $0x1  }
0x15: {  	[smem:$0x3FB7] =	sst s0;
	s0 =	simm.s32 @!p2 $0x0  }
0x16: {  	s3 =	sld [smem:$0x3FDB];
	s0 =	simm.s32 @p2 $0x1  }
0x17: {  	s4 =	simm.s32 $0x1BF5;
	[smem:$0x3FB9] =	sst s0  }
0x18: {  	s0 =	sld [smem:$0x3F9C];
	_ =	swait.ge [sflag:s4], $0x0  }
0x19: {  	s7 =	sld [smem:$0x3F9D]  }
0x1a: {  	s8 =	sadd.s32 $0xFFFFE003, lr  }
0x1b: {  	s9 =	sadd.s32 $0xFFFFFEF7, lr;
	s5 =	simm.s32 $0xFFFFFFFF;
	p2 =	slt.u32 s8, $0xFFFFF086  }
0x1c: {  	p1 =	slt.u32 s9, $0xF7A;
	s5 =	simm.s32 @!p2 $0x0  }
0x1d: {  	s5 =	simm.s32 @p1 $0x1;
	p0 =	seq.s32 s7, s2  }
0x1e: {  	s7 =	smul.u32 @!p0 $0xF7A, s2;
	p2 =	seq.s32 @!p0 s5, $0x0  }
0x1f: {  	s9 =	smul.u32 $0xF7A, s1;
	s8 =	simm.s32 @!p0 $0x1BF5;
	p2 =	por !p2, p0  }
0x20: {  	[sflag:s8] =	ssyncset.s32 @!p0 $0xFFFFF086;
	s6 =	sadd.s32 @!p0 s3, s7;
	s7 =	simm.s32 @!p0 $0x108  }
0x21: {  	s3 =	sadd.s32 s3, s9;
	s6 =	sadd.s32 @!p0 $0x88, s6;
	s7 =	simm.s32 @p2 $0x1082  }
0x22: {  	[simem:s7], [sflag:s8] =	dma.local @!p0 [hbm:s6], $0xF7A  }
0x23: {  	s9 =	sor.u32 $0xD0000000, s2;
	s6 =	simm.s32 $0x108;
	_ =	swait.ge @!p0 [sflag:s8], $0x0  }
0x24: {  	s3 =	sadd.s32 $0x88, s3;
	s6 =	simm.s32 @!p1 $0x1082;
	[sflag:s4] =	ssyncset.s32 $0xFFFFF086  }
0x25: {  	[simem:s6], [sflag:s4] =	dma.local [hbm:s3], $0xF7A  }
0x26: {  	[smem:$0x3F9D] =	sst s1;
	(tag) =	ssettag s2;
	_ =	strace s9  }
0x27: {  	s1 =	sld [smem:$0x3FAD]  }
0x28: {  	s2 =	sld [smem:$0x3FAE]  }
0x29: {  	s4 =	sld [smem:$0x3FB0]  }
0x2a: {  	p0 =	seq.s32 s5, $0x0;
	s5 =	sld [smem:$0x3FB1]  }
0x2b: {  	s6 =	sld [smem:$0x3FB2]  }
0x2c: {  	s7 =	sld [smem:$0x3FB3]  }
0x2d: {  	s3 =	simm.s32 $0x108;
	s8 =	sld [smem:$0x3FB4]  }
0x2e: {  	s3 =	simm.s32 @!p0 $0x1082;
	s9 =	sld [smem:$0x3FB5]  }
0x2f: {  	lr =	sadd.s32 s0, s3;
	s0 =	sld [smem:$0x3FAC]  }
0x30: {  	s3 =	sld [smem:$0x3FAF]  }
0x31: {  	[smem:$0x3FB8] =	sst s10  }
0x32: {  	s10 =	sld [smem:$0x3FB6];
	_ =	sdelay $0x3  }
0x33: {  	p0 =	seq.s32 s10, $0x1;
	s10 =	sld [smem:$0x3FB8];
	_ =	sdelay $0x3  }
0x34: {  	[smem:$0x3FB8] =	sst s10  }
0x35: {  	s10 =	sld [smem:$0x3FB7];
	_ =	sdelay $0x3  }
0x36: {  	p1 =	seq.s32 s10, $0x1;
	s10 =	sld [smem:$0x3FB8];
	_ =	sdelay $0x3  }
0x37: {  	[smem:$0x3FB8] =	sst s10  }
0x38: {  	s10 =	sld [smem:$0x3FB9]  }
0x39: {  	_ = 	snop;
	(pc) =	sbr.ind lr, $3  }
0x3a: {  	_ = 	snop  }
0x3b: {  	_ = 	snop  }
0x3c: {  	p2 =	seq.s32 s10, $0x1;
	s10 =	sld [smem:$0x3FB8]  }
0x3d: {  	_ =	shalt  }
0x3e: {  	_ =	shalt  }
0x3f: {  	_ =	shalt  }
0x40: {  	_ =	shalt  }
0x41: {  	_ =	shalt  }
0x42: {  	_ =	shalt  }
0x43: {  	_ =	shalt  }
0x44: {  	_ =	shalt  }
0x45: {  	_ =	shalt  }
0x46: {  	_ =	shalt  }
0x47: {  	_ =	shalt  }
0x48: {  	_ =	shalt  }
0x49: {  	_ =	shalt  }
0x4a: {  	_ =	shalt  }
0x4b: {  	_ =	shalt  }
0x4c: {  	_ =	shalt  }
0x4d: {  	_ =	shalt  }
0x4e: {  	_ =	shalt  }
0x4f: {  	_ =	shalt  }
0x50: {  	_ =	shalt  }
0x51: {  	_ =	shalt  }
0x52: {  	_ =	shalt  }
0x53: {  	_ =	shalt  }
0x54: {  	_ =	shalt  }
0x55: {  	_ =	shalt  }
0x56: {  	_ =	shalt  }
0x57: {  	_ =	shalt  }
0x58: {  	_ =	shalt  }
0x59: {  	_ =	shalt  }
0x5a: {  	_ =	shalt  }
0x5b: {  	_ =	shalt  }
0x5c: {  	_ =	shalt  }
0x5d: {  	_ =	shalt  }
0x5e: {  	_ =	shalt  }
0x5f: {  	_ =	shalt  }
0x60: {  	_ =	shalt  }
0x61: {  	_ =	shalt  }
0x62: {  	_ =	shalt  }
0x63: {  	_ =	shalt  }
0x64: {  	_ =	shalt  }
0x65: {  	_ =	shalt  }
0x66: {  	_ =	shalt  }
0x67: {  	_ =	shalt  }
0x68: {  	_ =	shalt  }
0x69: {  	_ =	shalt  }
0x6a: {  	_ =	shalt  }
0x6b: {  	_ =	shalt  }
0x6c: {  	_ =	shalt  }
0x6d: {  	_ =	shalt  }
0x6e: {  	_ =	shalt  }
0x6f: {  	_ =	shalt  }
0x70: {  	_ =	shalt  }
0x71: {  	_ =	shalt  }
0x72: {  	_ =	shalt  }
0x73: {  	_ =	shalt  }
0x74: {  	_ =	shalt  }
0x75: {  	_ =	shalt  }
0x76: {  	_ =	shalt  }
0x77: {  	_ =	shalt  }
0x78: {  	_ =	shalt  }
0x79: {  	_ =	shalt  }
0x7a: {  	_ =	shalt  }
0x7b: {  	_ =	shalt  }
0x7c: {  	_ =	shalt  }
0x7d: {  	_ =	shalt  }
0x7e: {  	_ =	shalt  }
0x7f: {  	_ =	shalt  }
0x80: {  	_ =	shalt  }
0x81: {  	_ =	shalt  }
0x82: {  	_ =	shalt  }
0x83: {  	_ =	shalt  }
0x84: {  	_ =	shalt  }
0x85: {  	_ =	shalt  }
0x86: {  	_ =	shalt  }
0x87: {  	_ =	shalt  }
.Lfunc_end0:
.L_simem_size_0:
called_computation_lowered:
.L_overlay_start_0:
0x88: {  	s2 =	sld [smem:$0x3FD9]  }
0x89: {  	s3 =	sld [smem:$0x3FFE];
	_ =	sdelay $0x1  }
0x8a: {  	s1 =	srdreg.scid  }
0x8b: {  	s0 =	sand.u32 $0x1, s1  }
0x8c: {  	s17 =	sshll.u32 s0, $0xA;
	s2 =	sadd.s32 s3, s2  }
0x8d: {  	s2 =	sadd.s32 s2, s17  }
0x8e: {  	[smem:$0x3FC4] =	sst s2  }
0x8f: {  	_ = 	snop  }
0x90: {  	s2 =	sld [smem:$0x3FC9]  }
0x91: {  	s18 =	sld [smem:$0x3FC7]  }
0x92: {  	s4 =	sld [smem:$0x3FD0];
	(tm) =	ssettm $0x1  }
0x93: {  	s5 =	sld [smem:$0x3FFB];
	_ =	sdelay $0x3  }
0x94: {  	_ =	strace s5  }
0x95: {  	s5 =	sld [smem:$0x3FFC];
	_ =	sdelay $0x3  }
0x96: {  	_ =	strace s5  }
0x97: {  	s5 =	sld [smem:$0x3FFD];
	_ =	sdelay $0x3  }
0x98: {  	_ =	strace s5  }
0x99: {  	_ =	strace $0x8FFFFFFF  }
0x9a: {  	s19 =	sld [smem:$0x3FDB];
	_ =	sdelay $0x1  }
0x9b: {  	s6 =	simm.s32 $_scs_section_size  }
0x9c: {  	s7 =	simm.s32 $_size__tile_overlayer_lowered;
	s8 =	simm.s32 $_tile_overlayer_lowered  }
0x9d: {  	s22 =	simm.s32 $0x1BFF;
	s21 =	sshll.u32 s8, $0x1;
	s5 =	sadd.s32 s6, s19  }
0x9e: {  	s9 =	simm.s32 $0x0;
	s20 =	sshll.u32 s7, $0x1;
	s7 =	sadd.s32 s21, s5  }
0x9f: {  	[timem:s9], [sflag:s22] =	dma.local [hbm:s7], s20  }
0xa0: {  	_ =	swait.ge [sflag:s22], s20  }
0xa1: {  	s6 =	ssub.s32 $0x0, s20;
	[sflag:s22] =	ssyncset.done $0x0  }
0xa2: {  	[sflag:s22] =	ssyncadd.s32 s6;
	_ =	sdelay $0x1  }
0xa3: {  	s23 =	simm.s32 $0x1B8B  }
0xa4: {  	_ =	swait.ge [sflag:s23], $0x1  }
0xa5: {  	[sflag:s23] =	ssyncset.done $0x0  }
0xa6: {  	s25 =	simm.s32 $0x1B8E;
	s24 =	sld [smem:$0x3FFE];
	[sflag:s23] =	ssyncadd.s32 $0xFFFFFFFF  }
0xa7: {  	s26 =	simm.s32 $execute0_lowered;
	[smem:$0x3FD2] =	sst s25  }
0xa8: {  	s7 =	sshll.u32 s26, $0x1;
	_ =	strace $0x80000046;
	[dreg:$0x1] =	wrdreg $0xFFFFFFFF  }
0xa9: {  	s28 =	simm.s32 $_size_execute0_lowered;
	s5 =	sadd.s32 s5, s7;
	[dreg:$0x0] =	wrdreg $0x0  }
0xaa: {  	s7 =	sshll.u32 s28, $0x1;
	[dreg:$0x2] =	wrdreg s5  }
0xab: {  	[dreg:$0x3] =	wrdreg s7  }
0xac: {  	[dreg:$0x4] =	wrdreg $0xC0  }
0xad: {  	_ =	task [dreg:s9], $0x5FFFF  }
0xae: {  	[dreg:$0x1] =	wrdreg $0xFFFFFFFF  }
0xaf: {  	[dreg:$0x0] =	wrdreg $0x60  }
0xb0: {  	[dreg:$0x2] =	wrdreg s2  }
0xb1: {  	[dreg:$0x3] =	wrdreg s24  }
0xb2: {  	[dreg:$0x4] =	wrdreg s4  }
0xb3: {  	[dreg:$0x5] =	wrdreg s18  }
0xb4: {  	[dreg:$0x6] =	wrdreg $0x29800  }
0xb5: {  	[dreg:$0x7] =	wrdreg $0x9  }
0xb6: {  	_ =	task.clear_ibuf [dreg:s9], $0x8FFFF;
	_ =	strace $0x90000046  }
0xb7: {  	s29 =	simm.s32 $0x9;
	_ =	strace $0x80000048  }
0xb8: {  	_ =	swait.ge [sflag:s29], $0x1  }
0xb9: {  	[sflag:s29] =	ssyncadd.s32 $0xFFFFFFFF  }
0xba: {  	_ =	strace $0x90000048  }
0xbb: {  	_ =	sfence  }
0xbc: {  	s30 =	sld [smem:$0x0];
	_ =	sdelay $0x2  }
0xbd: {  	s31 =	sshll.u32 s1, $0xD;
	s1 =	sshrl.u32 s1, $0x2  }
0xbe: {  	s3 =	sand.u32 $0x4000, s31;
	s1 =	sadd.s32 s1, s30  }
0xbf: {  	s0 =	sor.u32 s3, s0;
	s1 =	sshll.u32 s1, $0x11  }
0xc0: {  	s0 =	sor.u32 s1, s0  }
0xc1: {  	s0 =	sadd.s32 $0x8F2B, s0  }
0xc2: {  	[sflag:s0] =	ssyncadd.remote.s32 $0x1  }
0xc3: {  	_ =	sfence.sel $0xFFFF  }
0xc4: {  	[dreg:$0x0] =	wrdreg $0xFFFFFFFF;
	(pc) =	sbr.abs _section_cstart, $3  }
0xc5: {  	[dreg:$0x1] =	wrdreg $0xFFFFFFFF  }
0xc6: {  	_ =	task.clear_ibuf [dreg:s9], $0x2FFFF;
	_ =	strace $0x9FFFFFFF  }
0xc7: {  	(tm) =	ssettm $0x7FFFFFFF  }
tec
execute0_lowered:
.L_overlay_start_1:
0x0: {  	(tag) =	ssettag $0x1  }
0x1: {  	s1 =	rddreg [dreg:$0x0]  }
0x2: {  	s11 =	rddreg [dreg:$0x1]  }
0x3: {  	s2 =	rddreg [dreg:$0x2]  }
0x4: {  	s3 =	rddreg [dreg:$0x3]  }
0x5: {  	s4 =	rddreg [dreg:$0x4]  }
0x6: {  	s0 =	rddreg [dreg:$0x5]  }
0x7: {  	s6 =	simm.s32 $0x0;
	s7 =	srdreg.scid;
	s5 =	stileid.u32  }
0x8: {  	s16 =	simm.s32 $0x100;
	s17 =	simm.s32 $0x50;
	s18 =	simm.s32 $0x180  }
0x9: {  	s19 =	simm.s32 $0x1;
	[smem:$0x7FF] =	sst s6;
	s9 =	sand.u32 $0x1, s7  }
0xa: {  	s7 =	sadd.s32 $0x600, s11;
	s12 =	smul.u32 $0x50000, s5;
	s8 =	sadd.s32 $0xA400, s11  }
0xb: {  	s14 =	sshll.u32 s5, $0x1;
	s31 =	sshll.u32 s5, $0x6;
	s15 =	smul.u32 $0x2800, s5  }
0xc: {  	_ =	strace $0x80000047;
	s10 =	ssub.s32 $0x2, s9;
	s29 =	sor.u32 s9, s14  }
0xd: {  	p0 =	seq.s32 s9, $0x1;
	s9 =	sor.u32 $0x1C02, s31;
	s12 =	sshrl.u32 s12, $0x2  }
0xe: {  	s13 =	sshrl.u32 s10, $0x1;
	s30 =	sadd.s32 s12, s4;
	s12 =	simm.s32 $0x34C00  }
0xf: {  	s14 =	simm.s32 $0x2;
	s13 =	ssub.s32 s10, s13;
	s12 =	simm.s32 @!p0 $0xCC00  }
0x10: {  	s10 =	smul.u32 $0x2710, s29;
	s12 =	sadd.s32 s12, s11;
	s11 =	smax.u32 s13, $0x1  }
0x11: {  	s13 =	sshrl.u32 s30, $0x3;
	s12 =	sadd.s32 s12, s15;
	s15 =	simm.s32 $0x80  }
.LBB2_1:
0x12: {  	[spmem:s13], [sflag:s9] =	dma.local [hbm:s8], $0x2800  }
0x13: {  	_ =	swait.ge [sflag:s14], $0x2800  }
0x14: {  	[sflag:s14] =	ssyncset.done $0x0  }
0x15: {  	[sflag:s14] =	ssyncadd.s32 $0xFFFFD800  }
0x16: {  	s20 =	simm.s32 $0x0;
	[bflag:$0x0] =	sbarrier.arrive $0xFFFF  }
.LBB2_2:
0x17: {  	s21 =	smul.u32 $0x50, s20;
	_ =	sdelay $0x1  }
0x18: {  	s21 =	sadd.s32 s10, s21  }
0x19: {  	s22 =	sshrl.u32 s21, $0x3  }
0x1a: {  	s21 =	simm.s32 $0x0;
	s23 =	sadd.s32 s7, s22  }
0x1b: {  	[tilespmem:s21], [sflag:$0x2] =	stream.linear.gather [hbm4b:s23+s21], $0x50, $0x38;
	[tilespmem:$0x16980] =	vst v63  }
0x1c: {  	_ =	swait.ge [sflag:s14], $0x50  }
0x1d: {  	[sflag:s14] =	ssyncset.done $0x0  }
0x1e: {  	s31 =	sadd.s32 s2, s22;
	[sflag:s14] =	ssyncadd.s32 $0xFFFFFFB0  }
0x1f: {  	[tilespmem:s15], [sflag:$0x2] =	stream.linear.gather [hbm4b:s31+s21], $0x50, $0x38;
	[tilespmem:$0x16980] =	vst v63  }
0x20: {  	_ =	swait.ge [sflag:s14], $0x50  }
0x21: {  	[sflag:s14] =	ssyncset.done $0x0  }
0x22: {  	s22 =	sadd.s32 s3, s22;
	[sflag:s14] =	ssyncadd.s32 $0xFFFFFFB0  }
0x23: {  	[tilespmem:s16], [sflag:$0x2] =	stream.linear.gather [hbm4b:s22+s21], $0x50, $0x38;
	[tilespmem:$0x16980] =	vst v63  }
0x24: {  	_ =	swait.ge [sflag:s14], $0x50  }
0x25: {  	[sflag:s14] =	ssyncset.done $0x0  }
0x26: {  	[sflag:s14] =	ssyncadd.s32 $0xFFFFFFB0  }
0x27: {  	[tilespmem:s18], [sflag:$0x1] =	stream.indirect.gather [hbm4b:s1+s17], $0x80, s21, s17, $0xb8;
	[tilespmem:$0x16980] =	vst v63  }
0x28: {  	_ =	swait.ge [sflag:s19], $0x2800  }
0x29: {  	[sflag:s19] =	ssyncset.done $0x0  }
0x2a: {  	s23 =	simm.s32 $0x0;
	s22 =	simm.s32 $0x1C0;
	[sflag:s19] =	ssyncadd.s32 $0xFFFFD800  }
.LBB2_3:
0x2b: {  	s24 =	sshll.u32 s23, $0x4  }
0x2c: {  	v1 =	vld [tilespmem:s24+$0x100];
	_ =	sdelay $0x1  }
0x2d: {  	v5 =	vld [tilespmem:s22+$0xFFFFFFC0]  }
0x2e: {  	v7 =	vld [tilespmem:s22+$0xFFFFFFD0]  }
0x2f: {  	v6 =	vld [tilespmem:s22+$0xFFFFFFE0];
	v0 =	vmov s21  }
0x30: {  	v3 =	vld [tilespmem:s22+$0x0];
	v0 =	vperm.xlane v1, v0  }
0x31: {  	v4 =	vld [tilespmem:s22+$0x10]  }
0x32: {  	v2 =	vld [tilespmem:s22+$0x20];
	v8 =	vmul.f32 v5, v0  }
0x33: {  	s25 =	simm.s32 $0x1;
	s26 =	smov.u32 s22;
	s24 =	smov.u32 s22;
	v7 =	vmul.f32 v7, v0;
	v5 =	vld [tilespmem:s22+$0x30]  }
.LBB2_4:
0x34: {  	p0 =	sne.s32 s25, $0xF;
	[tilespmem:s24+$0xFFFFFFC0] =	vst v8;
	v6 =	vmul.f32 v6, v0;
	v8 =	vld [tilespmem:s24+$0xFFFFFFF0];
	s26 =	sadd.s32 $0x80, s26  }
0x35: {  	v9 =	vld [tilespmem:s26+$0xFFFFFFC0];
	[tilespmem:s24+$0xFFFFFFD0] =	vst v7;
	v3 =	vmul.f32 v3, v0  }
0x36: {  	v7 =	vld [tilespmem:s26+$0xFFFFFFD0];
	[tilespmem:s24+$0xFFFFFFE0] =	vst v6;
	v4 =	vmul.f32 v4, v0  }
.Ltmp0:
0x37: {  	v10 =	vmov s25;
	v6 =	vld [tilespmem:s26+$0xFFFFFFE0];
	[tilespmem:s24+$0x0] =	vst v3;
	v2 =	vmul.f32 v2, v0;
	(pc) =	sbr.rel @p0 .LBB2_4-.Ltmp0, $4  }
0x38: {  	v10 =	vperm.xlane v1, v10;
	v3 =	vld [tilespmem:s26+$0x0];
	[tilespmem:s24+$0x10] =	vst v4;
	v5 =	vmul.f32 v5, v0  }
0x39: {  	v4 =	vld [tilespmem:s26+$0x10];
	v11 =	vmul.f32 v8, v0;
	[tilespmem:s24+$0x20] =	vst v2  }
0x3a: {  	v0 =	vmov v10;
	v8 =	vmul.f32 v9, v10;
	v2 =	vld [tilespmem:s26+$0x20];
	[tilespmem:s24+$0x30] =	vst v5  }
0x3b: {  	s25 =	sadd.s32 $0x1, s25;
	v7 =	vmul.f32 v7, v0;
	v5 =	vld [tilespmem:s26+$0x30];
	[tilespmem:s24+$0xFFFFFFF0] =	vst v11;
	s24 =	smov.u32 s26  }
0x3c: {  	[tilespmem:s24+$0xFFFFFFC0] =	vst v8;
	v1 =	vmul.f32 v6, v0;
	v60 =	vld [tilespmem:s24+$0xFFFFFFF0]  }
0x3d: {  	s23 =	sadd.s32 $0x1, s23;
	[tilespmem:s24+$0xFFFFFFD0] =	vst v7;
	v3 =	vmul.f32 v3, v0  }
0x3e: {  	p0 =	sne.s32 s23, $0x5;
	[tilespmem:s24+$0xFFFFFFE0] =	vst v1;
	v61 =	vmul.f32 v4, v0  }
.Ltmp1:
0x3f: {  	[tilespmem:s24+$0x0] =	vst v3;
	v2 =	vmul.f32 v2, v0;
	(pc) =	sbr.rel @p0 .LBB2_3-.Ltmp1, $4  }
0x40: {  	[tilespmem:s24+$0x10] =	vst v61;
	v62 =	vmul.f32 v5, v0  }
0x41: {  	v63 =	vmul.f32 v60, v0;
	[tilespmem:s24+$0x20] =	vst v2  }
0x42: {  	[tilespmem:s24+$0x30] =	vst v62  }
0x43: {  	s22 =	sadd.s32 $0x800, s22;
	[tilespmem:s24+$0xFFFFFFF0] =	vst v63  }
0x44: {  	s20 =	sadd.s32 $0x1, s20  }
0x45: {  	p0 =	sne.s32 s20, $0x7D  }
.Ltmp2:
0x46: {  	_ = 	snop;
	(pc) =	sbr.rel @p0 .LBB2_2-.Ltmp2, $4  }
0x47: {  	[spmem:s4] =	stream.indirect.scatter.add.f32 [tilespmem:s18], [sflag:$0x2], $0x80, s15, s17, $0xb8;
	[tilespmem:$0x16980] =	vst v63  }
0x48: {  	_ =	swait.ge [sflag:s14], $0x2800  }
0x49: {  	[sflag:s14] =	ssyncset.done $0x0  }
0x4a: {  	[sflag:s14] =	ssyncadd.s32 $0xFFFFD800  }
0x4b: {  	s6 =	sadd.s32 $0x1, s6  }
0x4c: {  	p0 =	sne.s32 s6, s11  }
.Ltmp3:
0x4d: {  	[bflag:$0x0] =	sbarrier.arrive $0xFFFF;
	(pc) =	sbr.rel @p0 .LBB2_1-.Ltmp3, $4  }
0x4e: {  	[hbm:s12], [sflag:s9] =	dma.local [spmem:s13], $0x2800  }
0x4f: {  	_ =	swait.ge [sflag:s14], $0x2800  }
0x50: {  	[sflag:s14] =	ssyncset.done $0x0  }
0x51: {  	[sflag:s14] =	ssyncadd.s32 $0xFFFFD800  }
0x52: {  	_ =	sfence.sel $0x180000  }
0x53: {  	[bflag:$0x0] =	sbarrier.arrive $0xFFFF  }
0x54: {  	p0 =	sne.s32 s5, $0x0;
	_ =	strace $0x90000047  }
0x55: {  	s0 =	sadd.s32 @!p0 $0x100000, s0;
	[bflag:$0x2] =	sbarrier.arrive $0xFFFF  }
0x56: {  	[sflag:s0] =	ssyncadd.tile.s32 @!p0 $0x1;
	_ =	shalt  }
.Lfunc_end2:
_tile_overlayer_lowered:
.L_overlay_start_2:
0x57: {  	(tag) =	ssettag $0x2  }
0x58: {  	s0 =	rddreg [dreg:$0x0];
	s2 =	stileid.u32  }
0x59: {  	s1 =	rddreg [dreg:$0x1];
	p0 =	sne.s32 s2, $0x0  }
0x5a: {  	s3 =	rddreg [dreg:$0x2];
	[bflag:$0x3] =	sbarrier.arrive $0xFFFF;
	s2 =	simm.s32 @!p0 $0x1C02  }
0x5b: {  	[timem:s3], [sflag:s2] =	dma.local @!p0 [hbm:s0], s1  }
0x5c: {  	s0 =	simm.s32 @!p0 $0x2  }
0x5d: {  	_ =	swait.ge @!p0 [sflag:s0], s1  }
0x5e: {  	s1 =	ssub.s32 @!p0 $0x0, s1;
	[sflag:s0] =	ssyncset.done @!p0 $0x0  }
0x5f: {  	[sflag:s0] =	ssyncadd.s32 @!p0 s1  }
0x60: {  	[bflag:$0x3] =	sbarrier.arrive $0xFFFF  }
0x61: {  	_ =	shalt  }

</sc_bundles>
